<compile_context>
chip_gen: v7x
topology: tpu7x:2x2x1
jax: 0.10.2.dev20260603
libtpu: 0.0.44.dev20260713+nightly
codegen_flags: <defaults>
</compile_context>

<pallas_src>
import functools

import jax
import jax.numpy as jnp
from jax import lax
from jax.experimental import pallas as pl
from jax.experimental.pallas import tpu as pltpu
from jax.experimental.pallas import tpu_sc as plsc

MEMORY_SIZE = 512
CONTRAST_SIZE = 64

_NUM_CORES = 2

_B = 16
_C = 128
_H = 32
_W = 32
_FROWS = _B * _H * _W
_BLK = 8192


_SPB = _B // _NUM_CORES


@functools.partial(
    pl.kernel,
    mesh=plsc.ScalarSubcoreMesh(axis_name="c", num_cores=_NUM_CORES),
    out_type=jax.ShapeDtypeStruct((_B, 1, _H, _W), jnp.float32),
    scratch_types=[
        pltpu.VMEM_SHARED((_SPB, 1, _H, _W), jnp.float32),
        pltpu.SemaphoreType.DMA,
    ],
    compiler_params=pltpu.CompilerParams(
        use_tc_tiling_on_sc=True, skip_device_barrier=True),
)
def _mask_gather(lab_hbm, out_l_hbm, lbuf, lsem):
    cid = lax.axis_index("c")
    base = cid * _SPB

    rd = pltpu.make_async_copy(lab_hbm.at[pl.ds(base, _SPB)], lbuf, lsem)
    rd.start()
    rd.wait()
    wr = pltpu.make_async_copy(lbuf, out_l_hbm.at[pl.ds(base, _SPB)], lsem)
    wr.start()
    wr.wait()


def _feat_body(src_ref, dst_ref):
    dst_ref[...] = src_ref[...]


_feat_stream = pl.pallas_call(
    _feat_body,
    grid=(_FROWS // _BLK,),
    in_specs=[pl.BlockSpec((_BLK, _C), lambda i: (i, 0))],
    out_specs=pl.BlockSpec((_BLK, _C), lambda i: (i, 0)),
    out_shape=jax.ShapeDtypeStruct((_FROWS, _C), jnp.float32),
    compiler_params=pltpu.CompilerParams(skip_device_barrier=True),
)


def kernel(t_feats, labels, teacher_feature_queue, teacher_mask_queue):
    del teacher_feature_queue, teacher_mask_queue
    keys = jax.lax.stop_gradient(t_feats)
    labs = jax.lax.stop_gradient(labels.astype(jnp.float32))
    feat2d = keys.transpose(0, 2, 3, 1).reshape(_FROWS, _C)
    out_l = _mask_gather(labs)
    out_f = _feat_stream(feat2d)
    out_f = out_f.reshape(_B, _H, _W, _C).transpose(0, 3, 1, 2)
    return (out_f, out_l)

# --- scband reference (transcript-rebuilt; emitter-appended) ---
"""Pipeline reference for scband-cross-image-memory-14697378087739 (READ-ONLY COPY).

The authoritative reference and input builder live on the scoring server;
editing this copy changes nothing except your own understanding.
"""

import jax, jax.numpy as jnp
import numpy as np

MEMORY_SIZE = 512
CONTRAST_SIZE = 64
T_CHANNELS = 128
IMG_SIZE = 32
BATCH = 16


def setup_inputs(seed: int = 0) -> dict:
    key = jax.random.key(seed)
    k1, k2, k3, k4 = jax.random.split(key, 4)
    t_feats = jax.random.normal(k1, (BATCH, T_CHANNELS, IMG_SIZE, IMG_SIZE), dtype=jnp.float32)
    labels = jax.random.uniform(k2, (BATCH, 1, IMG_SIZE, IMG_SIZE), dtype=jnp.float32)
    # registered buffers (state of the module), initialized with randn like the torch module
    teacher_feature_queue = jax.random.normal(k3, (MEMORY_SIZE, T_CHANNELS, IMG_SIZE, IMG_SIZE), dtype=jnp.float32)
    teacher_mask_queue = jax.random.normal(k4, (MEMORY_SIZE, 1, IMG_SIZE, IMG_SIZE), dtype=jnp.float32)
    return {
        "t_feats": t_feats,
        "labels": labels,
        "teacher_feature_queue": teacher_feature_queue,
        "teacher_mask_queue": teacher_mask_queue,
    }


def reference(t_feats, labels, teacher_feature_queue, teacher_mask_queue):
    # Faithful first-call trace of cross_image_memory.forward:
    #   iters: 0 -> 1; queue_number: 0 -> BATCH after enqueue
    labels = labels.astype(jnp.float32)
    # keys/labels are detached before enqueue in the torch module
    keys = jax.lax.stop_gradient(t_feats)
    labs = jax.lax.stop_gradient(labels)
    B = t_feats.shape[0]
    # _dequeue_and_enqueue: queue_number (0..B-1) < memory_size, so the batch is
    # written sequentially into slots 0..B-1 (scatter-overwrite)
    slot_idx = jnp.arange(B)
    feat_q = teacher_feature_queue.at[slot_idx].set(keys)
    mask_q = teacher_mask_queue.at[slot_idx].set(labs)
    queue_number = B
    # iters (=1) < contrast_size -> index = arange(contrast_size)
    index = jnp.arange(CONTRAST_SIZE)
    # _sample_negative: contrast_size > queue_number -> truncate to queue_number
    cs = min(CONTRAST_SIZE, queue_number)
    index = index[:cs]
    this_feature = jnp.take(feat_q, index, axis=0)
    this_mask = jnp.take(mask_q, index, axis=0)
    return (this_feature, this_mask)

if __name__ == "__main__":
    import jax
    _d = setup_inputs()
    print(jax.jit(kernel)(*tuple(_d.values())))

</pallas_src>

<mosaic_0001>
#map = affine_map<(d0) -> (0, 0, 0, 0)>
module attributes {stable_mosaic.version = 14 : i64} {
  func.func @_mask_gather(%arg0: i32, %arg1: memref<16x1x32x32xf32, #tpu.memory_space<hbm>>, %arg2: memref<16x1x32x32xf32, #tpu.memory_space<hbm>>, %arg3: memref<8x1x32x32xf32, #tpu.memory_space<vmem_shared>>, %arg4: memref<!tpu.dma_semaphore, #tpu.memory_space<semaphore_mem>>) attributes {dimension_semantics = [#tpu.dimension_semantics<core_parallel>], iteration_bounds = array<i64: 2>, scalar_prefetch = 0 : i64, scratch_operands = 2 : i64, tpu.core_type = #tpu.core_type<sc_scalar_subcore>, window_params = [{transform_indices = #map}, {transform_indices = #map}]} {
    %mul3A = arith.constant 8 : i32
    %mul3A_0 = arith.muli %arg0, %mul3A : i32
    %dma_start3A = arith.constant 0 : i32
    %dma_start3A_1 = arith.constant 0 : i32
    %dma_start3A_2 = arith.constant 0 : i32
    %dma_start3A_3 = tpu.memref_slice %arg1[%mul3A_0, %dma_start3A, %dma_start3A_1, %dma_start3A_2] : memref<16x1x32x32xf32, #tpu.memory_space<hbm>> -> memref<8x1x32x32xf32, #tpu.memory_space<hbm>>
    tpu.enqueue_dma source(%dma_start3A_3 : memref<8x1x32x32xf32, #tpu.memory_space<hbm>>) target(%arg3 : memref<8x1x32x32xf32, #tpu.memory_space<vmem_shared>>) target_semaphore(%arg4 : memref<!tpu.dma_semaphore, #tpu.memory_space<semaphore_mem>>)
    %dma_wait3A = arith.constant 0 : i32
    %dma_wait3A_4 = arith.constant 0 : i32
    %dma_wait3A_5 = arith.constant 0 : i32
    %dma_wait3A_6 = tpu.memref_slice %arg1[%mul3A_0, %dma_wait3A, %dma_wait3A_4, %dma_wait3A_5] : memref<16x1x32x32xf32, #tpu.memory_space<hbm>> -> memref<8x1x32x32xf32, #tpu.memory_space<hbm>>
    tpu.wait_dma2 semaphore(%arg4 : memref<!tpu.dma_semaphore, #tpu.memory_space<semaphore_mem>>) src(%dma_wait3A_6 : memref<8x1x32x32xf32, #tpu.memory_space<hbm>>) dst(%arg3 : memref<8x1x32x32xf32, #tpu.memory_space<vmem_shared>>)
    %dma_start3A_7 = arith.constant 0 : i32
    %dma_start3A_8 = arith.constant 0 : i32
    %dma_start3A_9 = arith.constant 0 : i32
    %dma_start3A_10 = tpu.memref_slice %arg2[%mul3A_0, %dma_start3A_7, %dma_start3A_8, %dma_start3A_9] : memref<16x1x32x32xf32, #tpu.memory_space<hbm>> -> memref<8x1x32x32xf32, #tpu.memory_space<hbm>>
    tpu.enqueue_dma source(%arg3 : memref<8x1x32x32xf32, #tpu.memory_space<vmem_shared>>) target(%dma_start3A_10 : memref<8x1x32x32xf32, #tpu.memory_space<hbm>>) target_semaphore(%arg4 : memref<!tpu.dma_semaphore, #tpu.memory_space<semaphore_mem>>)
    %dma_wait3A_11 = arith.constant 0 : i32
    %dma_wait3A_12 = arith.constant 0 : i32
    %dma_wait3A_13 = arith.constant 0 : i32
    %dma_wait3A_14 = tpu.memref_slice %arg2[%mul3A_0, %dma_wait3A_11, %dma_wait3A_12, %dma_wait3A_13] : memref<16x1x32x32xf32, #tpu.memory_space<hbm>> -> memref<8x1x32x32xf32, #tpu.memory_space<hbm>>
    tpu.wait_dma2 semaphore(%arg4 : memref<!tpu.dma_semaphore, #tpu.memory_space<semaphore_mem>>) src(%arg3 : memref<8x1x32x32xf32, #tpu.memory_space<vmem_shared>>) dst(%dma_wait3A_14 : memref<8x1x32x32xf32, #tpu.memory_space<hbm>>)
    return
  }
}

module attributes {stable_mosaic.version = 14 : i64} {
  func.func @_feat_body(%arg0: i32, %arg1: memref<8192x128xf32, #tpu.memory_space<vmem>>, %arg2: memref<8192x128xf32, #tpu.memory_space<vmem>>) attributes {dimension_semantics = [#tpu.dimension_semantics<arbitrary>], iteration_bounds = array<i64: 2>, scalar_prefetch = 0 : i64, scratch_operands = 0 : i64, tpu.core_type = #tpu.core_type<tc>, window_params = [{transform_indices = @transform_0, window_bounds = array<i64: 8192, 128>}, {transform_indices = @transform_1, window_bounds = array<i64: 8192, 128>}]} {
    %get3A = arith.constant 0 : index
    %get3A_0 = arith.constant 0 : index
    %get3A_1 = vector.load %arg1[%get3A, %get3A_0] : memref<8192x128xf32, #tpu.memory_space<vmem>>, vector<8192x128xf32>
    %swap3A = arith.constant 0 : index
    %swap3A_2 = arith.constant 0 : index
    %swap3A_3 = vector.load %arg2[%swap3A, %swap3A_2] : memref<8192x128xf32, #tpu.memory_space<vmem>>, vector<8192x128xf32>
    tpu.vector_store %arg2[%swap3A, %swap3A_2], %get3A_1 {strides = array<i32>} : memref<8192x128xf32, #tpu.memory_space<vmem>>, vector<8192x128xf32>,
    return
  }
  func.func @transform_0(%arg0: i32) -> (i32, i32) {
    %c0_i32 = arith.constant 0 : i32
    %c0_i32_0 = arith.constant 0 : i32
    return %arg0, %c0_i32 : i32, i32
  }
  func.func @transform_1(%arg0: i32) -> (i32, i32) {
    %c0_i32 = arith.constant 0 : i32
    %c0_i32_0 = arith.constant 0 : i32
    return %arg0, %c0_i32 : i32, i32
  }
}

</mosaic_0001>

<sc_bundles>
// kernel: kernel.4.cloned.1.call-start
scs
__scs_entry_jumppad:
0x0: {  	(pc) =	sbr.rel $0x88, $3  }
0x1: {  	(tag) =	ssettag $0x0;
	lr =	simm.s32 $0x1  }
0x2: {  	[smem:$0x3F9F] =	sst lr;
	_ =	strace $0xD0000000  }
0x3: {  	_ = 	snop  }
0x4: {  	_ = 	snop  }
0x5: {  	_ = 	snop  }
0x6: {  	_ = 	snop  }
0x7: {  	_ = 	snop  }
__scs_overlays_trampoline_lowered:
0x8: {  	[smem:$0x3FAE] =	sst s0  }
0x9: {  	[smem:$0x3FAF] =	sst s1  }
0xa: {  	[smem:$0x3FB0] =	sst s2  }
0xb: {  	[smem:$0x3FB1] =	sst s3  }
0xc: {  	[smem:$0x3FB2] =	sst s4  }
0xd: {  	[smem:$0x3FB3] =	sst s5  }
0xe: {  	[smem:$0x3FB4] =	sst s6  }
0xf: {  	[smem:$0x3FB5] =	sst s7  }
0x10: {  	[smem:$0x3FB6] =	sst s8  }
0x11: {  	[smem:$0x3FB7] =	sst s9;
	s0 =	simm.s32 @!p0 $0x0  }
0x12: {  	s1 =	sld [smem:$0x3F9D];
	s0 =	simm.s32 @p0 $0x1  }
0x13: {  	[smem:$0x3FB8] =	sst s0;
	s0 =	simm.s32 @!p1 $0x0  }
0x14: {  	s2 =	sld [smem:$0x3F9C];
	s0 =	simm.s32 @p1 $0x1  }
0x15: {  	[smem:$0x3FB9] =	sst s0;
	s0 =	simm.s32 @!p2 $0x0  }
0x16: {  	s3 =	sld [smem:$0x3FDB];
	s0 =	simm.s32 @p2 $0x1  }
0x17: {  	s4 =	simm.s32 $0x1BF5;
	[smem:$0x3FBB] =	sst s0  }
0x18: {  	s0 =	sld [smem:$0x3F9E];
	_ =	swait.ge [sflag:s4], $0x0  }
0x19: {  	s7 =	sld [smem:$0x3F9F]  }
0x1a: {  	s8 =	sadd.s32 $0xFFFFE003, lr  }
0x1b: {  	s9 =	sadd.s32 $0xFFFFFEF7, lr;
	s5 =	simm.s32 $0xFFFFFFFF;
	p2 =	slt.u32 s8, $0xFFFFF086  }
0x1c: {  	p1 =	slt.u32 s9, $0xF7A;
	s5 =	simm.s32 @!p2 $0x0  }
0x1d: {  	s5 =	simm.s32 @p1 $0x1;
	p0 =	seq.s32 s7, s2  }
0x1e: {  	s7 =	smul.u32 @!p0 $0xF7A, s2;
	p2 =	seq.s32 @!p0 s5, $0x0  }
0x1f: {  	s9 =	smul.u32 $0xF7A, s1;
	s8 =	simm.s32 @!p0 $0x1BF5;
	p2 =	por !p2, p0  }
0x20: {  	[sflag:s8] =	ssyncset.s32 @!p0 $0xFFFFF086;
	s6 =	sadd.s32 @!p0 s3, s7;
	s7 =	simm.s32 @!p0 $0x108  }
0x21: {  	s3 =	sadd.s32 s3, s9;
	s6 =	sadd.s32 @!p0 $0x88, s6;
	s7 =	simm.s32 @p2 $0x1082  }
0x22: {  	[simem:s7], [sflag:s8] =	dma.local @!p0 [hbm:s6], $0xF7A  }
0x23: {  	s9 =	sor.u32 $0xD0000000, s2;
	s6 =	simm.s32 $0x108;
	_ =	swait.ge @!p0 [sflag:s8], $0x0  }
0x24: {  	s3 =	sadd.s32 $0x88, s3;
	s6 =	simm.s32 @!p1 $0x1082;
	[sflag:s4] =	ssyncset.s32 $0xFFFFF086  }
0x25: {  	[simem:s6], [sflag:s4] =	dma.local [hbm:s3], $0xF7A  }
0x26: {  	[smem:$0x3F9F] =	sst s1;
	(tag) =	ssettag s2;
	_ =	strace s9  }
0x27: {  	s1 =	sld [smem:$0x3FAF]  }
0x28: {  	s2 =	sld [smem:$0x3FB0]  }
0x29: {  	s4 =	sld [smem:$0x3FB2]  }
0x2a: {  	p0 =	seq.s32 s5, $0x0;
	s5 =	sld [smem:$0x3FB3]  }
0x2b: {  	s6 =	sld [smem:$0x3FB4]  }
0x2c: {  	s7 =	sld [smem:$0x3FB5]  }
0x2d: {  	s3 =	simm.s32 $0x108;
	s8 =	sld [smem:$0x3FB6]  }
0x2e: {  	s3 =	simm.s32 @!p0 $0x1082;
	s9 =	sld [smem:$0x3FB7]  }
0x2f: {  	lr =	sadd.s32 s0, s3;
	s0 =	sld [smem:$0x3FAE]  }
0x30: {  	s3 =	sld [smem:$0x3FB1]  }
0x31: {  	[smem:$0x3FBA] =	sst s10  }
0x32: {  	s10 =	sld [smem:$0x3FB8];
	_ =	sdelay $0x3  }
0x33: {  	p0 =	seq.s32 s10, $0x1;
	s10 =	sld [smem:$0x3FBA];
	_ =	sdelay $0x3  }
0x34: {  	[smem:$0x3FBA] =	sst s10  }
0x35: {  	s10 =	sld [smem:$0x3FB9];
	_ =	sdelay $0x3  }
0x36: {  	p1 =	seq.s32 s10, $0x1;
	s10 =	sld [smem:$0x3FBA];
	_ =	sdelay $0x3  }
0x37: {  	[smem:$0x3FBA] =	sst s10  }
0x38: {  	s10 =	sld [smem:$0x3FBB]  }
0x39: {  	_ = 	snop;
	(pc) =	sbr.ind lr, $3  }
0x3a: {  	_ = 	snop  }
0x3b: {  	_ = 	snop  }
0x3c: {  	p2 =	seq.s32 s10, $0x1;
	s10 =	sld [smem:$0x3FBA]  }
0x3d: {  	_ =	shalt  }
0x3e: {  	_ =	shalt  }
0x3f: {  	_ =	shalt  }
0x40: {  	_ =	shalt  }
0x41: {  	_ =	shalt  }
0x42: {  	_ =	shalt  }
0x43: {  	_ =	shalt  }
0x44: {  	_ =	shalt  }
0x45: {  	_ =	shalt  }
0x46: {  	_ =	shalt  }
0x47: {  	_ =	shalt  }
0x48: {  	_ =	shalt  }
0x49: {  	_ =	shalt  }
0x4a: {  	_ =	shalt  }
0x4b: {  	_ =	shalt  }
0x4c: {  	_ =	shalt  }
0x4d: {  	_ =	shalt  }
0x4e: {  	_ =	shalt  }
0x4f: {  	_ =	shalt  }
0x50: {  	_ =	shalt  }
0x51: {  	_ =	shalt  }
0x52: {  	_ =	shalt  }
0x53: {  	_ =	shalt  }
0x54: {  	_ =	shalt  }
0x55: {  	_ =	shalt  }
0x56: {  	_ =	shalt  }
0x57: {  	_ =	shalt  }
0x58: {  	_ =	shalt  }
0x59: {  	_ =	shalt  }
0x5a: {  	_ =	shalt  }
0x5b: {  	_ =	shalt  }
0x5c: {  	_ =	shalt  }
0x5d: {  	_ =	shalt  }
0x5e: {  	_ =	shalt  }
0x5f: {  	_ =	shalt  }
0x60: {  	_ =	shalt  }
0x61: {  	_ =	shalt  }
0x62: {  	_ =	shalt  }
0x63: {  	_ =	shalt  }
0x64: {  	_ =	shalt  }
0x65: {  	_ =	shalt  }
0x66: {  	_ =	shalt  }
0x67: {  	_ =	shalt  }
0x68: {  	_ =	shalt  }
0x69: {  	_ =	shalt  }
0x6a: {  	_ =	shalt  }
0x6b: {  	_ =	shalt  }
0x6c: {  	_ =	shalt  }
0x6d: {  	_ =	shalt  }
0x6e: {  	_ =	shalt  }
0x6f: {  	_ =	shalt  }
0x70: {  	_ =	shalt  }
0x71: {  	_ =	shalt  }
0x72: {  	_ =	shalt  }
0x73: {  	_ =	shalt  }
0x74: {  	_ =	shalt  }
0x75: {  	_ =	shalt  }
0x76: {  	_ =	shalt  }
0x77: {  	_ =	shalt  }
0x78: {  	_ =	shalt  }
0x79: {  	_ =	shalt  }
0x7a: {  	_ =	shalt  }
0x7b: {  	_ =	shalt  }
0x7c: {  	_ =	shalt  }
0x7d: {  	_ =	shalt  }
0x7e: {  	_ =	shalt  }
0x7f: {  	_ =	shalt  }
0x80: {  	_ =	shalt  }
0x81: {  	_ =	shalt  }
0x82: {  	_ =	shalt  }
0x83: {  	_ =	shalt  }
0x84: {  	_ =	shalt  }
0x85: {  	_ =	shalt  }
0x86: {  	_ =	shalt  }
0x87: {  	_ =	shalt  }
.Lfunc_end0:
.L_simem_size_0:
called_computation_lowered:
.L_overlay_start_0:
0x88: {  	s0 =	sld [smem:$0x3FD9]  }
0x89: {  	s1 =	sld [smem:$0x3FFE];
	_ =	sdelay $0x1  }
0x8a: {  	s2 =	srdreg.scid  }
0x8b: {  	s3 =	sand.u32 $0x1, s2  }
0x8c: {  	s21 =	sshll.u32 s3, $0xA;
	s0 =	sadd.s32 s1, s0  }
0x8d: {  	s0 =	sadd.s32 s0, s21  }
0x8e: {  	[smem:$0x3FC6] =	sst s0  }
0x8f: {  	_ = 	snop  }
0x90: {  	s0 =	sld [smem:$0x3FD0];
	_ =	sdelay $0x2  }
0x91: {  	s4 =	simm.s32 $0xA;
	s5 =	simm.s32 $0x10;
	s22 =	sld [smem:$0x3FC8]  }
0x92: {  	[smem:s5], [sflag:s4] =	dma.local [hbm:s0], $0x1  }
0x93: {  	_ =	swait.eq [sflag:s4], $0x1  }
0x94: {  	[sflag:s4] =	ssyncset.done $0x0  }
0x95: {  	s24 =	simm.s32 $0x0;
	s23 =	sld [smem:$0x11];
	[sflag:s4] =	ssyncadd.s32 $0xFFFFFFFF  }
0x96: {  	[smem:$0xF] =	sst s24  }
0x97: {  	(tm) =	ssettm $0x1  }
0x98: {  	s25 =	sld [smem:$0x3FFB];
	_ =	sdelay $0x3  }
0x99: {  	_ =	strace s25  }
0x9a: {  	s5 =	sld [smem:$0x3FFC];
	_ =	sdelay $0x3  }
0x9b: {  	_ =	strace s5  }
0x9c: {  	s5 =	sld [smem:$0x3FFD];
	_ =	sdelay $0x3  }
0x9d: {  	_ =	strace s5  }
0x9e: {  	s26 =	simm.s32 $0x1B8B;
	_ =	strace $0x8FFFFFFF  }
0x9f: {  	_ =	swait.ge [sflag:s26], $0x1  }
0xa0: {  	[sflag:s26] =	ssyncset.done $0x0  }
0xa1: {  	s28 =	simm.s32 $0x1B8E;
	[sflag:s26] =	ssyncadd.s32 $0xFFFFFFFF  }
0xa2: {  	s29 =	sshll.u32 s3, $0xC;
	[smem:$0x3FD2] =	sst s28  }
0xa3: {  	s6 =	simm.s32 $0x9;
	s1 =	sadd.s32 s29, s22;
	_ =	strace $0x80000046  }
0xa4: {  	[spmem:s24], [sflag:s6] =	dma.local [hbm:s1], $0x1000  }
0xa5: {  	_ =	swait.ge [sflag:s6], $0x1000  }
0xa6: {  	[sflag:s6] =	ssyncset.done $0x0  }
0xa7: {  	[sflag:s6] =	ssyncadd.s32 $0xFFFFF000  }
0xa8: {  	s0 =	sadd.s32 s29, s23  }
0xa9: {  	[hbm:s0], [sflag:s6] =	dma.local [spmem:s24], $0x1000  }
0xaa: {  	_ =	swait.ge [sflag:s6], $0x1000  }
0xab: {  	[sflag:s6] =	ssyncset.done $0x0  }
0xac: {  	[sflag:s6] =	ssyncadd.s32 $0xFFFFF000  }
0xad: {  	_ =	strace $0x90000046  }
0xae: {  	_ =	sfence  }
0xaf: {  	s30 =	sld [smem:$0x0];
	_ =	sdelay $0x2  }
0xb0: {  	s31 =	sshll.u32 s2, $0xD;
	s2 =	sshrl.u32 s2, $0x2  }
0xb1: {  	s1 =	sand.u32 $0x4000, s31;
	s0 =	sadd.s32 s2, s30  }
0xb2: {  	s1 =	sor.u32 s1, s3;
	s0 =	sshll.u32 s0, $0x11  }
0xb3: {  	s0 =	sor.u32 s0, s1  }
0xb4: {  	s0 =	sadd.s32 $0x8F2B, s0;
	(pc) =	sbr.abs _section_cstart, $3  }
0xb5: {  	[sflag:s0] =	ssyncadd.remote.s32 $0x1  }
0xb6: {  	_ =	strace $0x9FFFFFFF  }
0xb7: {  	(tm) =	ssettm $0x7FFFFFFF  }

</sc_bundles>
